<compile_context>
chip_gen: v7x
topology: tpu7x:2x2x1
jax: 0.10.2.dev20260603
libtpu: 0.0.44.dev20260713+nightly
codegen_flags: <defaults>
</compile_context>

<pallas_src>
import functools

import jax
import jax.numpy as jnp
from jax import lax
from jax.experimental import pallas as pl
from jax.experimental.pallas import tpu as pltpu
from jax.experimental.pallas import tpu_sc as plsc

NWORDS = 100000
EMB = 16
HID = 128
NHIST = 20
B = 1024

_TOTAL = B * NHIST
_NW = 32
_CHUNK = 128
_PER_W = _TOTAL // _NW
_NCH = _PER_W // _CHUNK
_BN = 5120
_NT = -(-NWORDS // _BN)
_TAIL = NWORDS - (_NT - 1) * _BN
_NBUF = 4


def _make_sc_gather():
    mesh = plsc.VectorSubcoreMesh(core_axis_name="c", subcore_axis_name="s")

    @functools.partial(
        pl.kernel,
        mesh=mesh,
        out_type=jax.ShapeDtypeStruct((_NW, _NCH, _CHUNK, EMB), jnp.float32),
        scratch_types=[
            pltpu.VMEM((_NCH, _CHUNK), jnp.int32),
            pltpu.VMEM((_NCH, _CHUNK, EMB), jnp.float32),
            pltpu.SemaphoreType.DMA,
        ],
        compiler_params=pltpu.CompilerParams(use_tc_tiling_on_sc=False),
    )
    def sc_gather(idx_hbm, table_hbm, out_hbm, idx_v, rows_v, sem):
        wid = lax.axis_index("s") * 2 + lax.axis_index("c")
        pltpu.sync_copy(idx_hbm.at[wid], idx_v)
        copies = [
            pltpu.async_copy(table_hbm.at[idx_v.at[j]], rows_v.at[j], sem)
            for j in range(_NCH)
        ]
        for c in copies:
            c.wait()
        pltpu.sync_copy(rows_v, out_hbm.at[wid])

    return sc_gather


_sc_gather_cache = []


def _sc_gather(idx, table):
    if not _sc_gather_cache:
        _sc_gather_cache.append(_make_sc_gather())
    return _sc_gather_cache[0](idx, table)


def _mlp_body(feat_ref, w1_ref, b1_ref, w2_ref, b2_ref, out_ref, h_ref):
    @pl.when(pl.program_id(0) == 0)
    def _():
        h = lax.dot_general(
            feat_ref[...], w1_ref[...],
            (((1,), (1,)), ((), ())),
            preferred_element_type=jnp.float32,
        )
        h_ref[...] = h + b1_ref[...]

    out_ref[...] = lax.dot_general(
        w2_ref[...], h_ref[...],
        (((1,), (1,)), ((), ())),
        preferred_element_type=jnp.float32,
    ) + b2_ref[...]


def _mlp(feat, W1, b1, W2, b2):
    outT = pl.pallas_call(
        _mlp_body,
        grid=(_NT,),
        in_specs=[
            pl.BlockSpec((B, NHIST * EMB), lambda i: (0, 0)),
            pl.BlockSpec((HID, NHIST * EMB), lambda i: (0, 0)),
            pl.BlockSpec((1, HID), lambda i: (0, 0)),
            pl.BlockSpec((_BN, HID), lambda i: (i, 0)),
            pl.BlockSpec((_BN, 1), lambda i: (i, 0)),
        ],
        out_specs=pl.BlockSpec((_BN, B), lambda i: (i, 0)),
        out_shape=jax.ShapeDtypeStruct((NWORDS, B), jnp.float32),
        scratch_shapes=[pltpu.VMEM((B, HID), jnp.float32)],
        compiler_params=pltpu.CompilerParams(
            vmem_limit_bytes=100 * 1024 * 1024,
        ),
    )(feat, W1, b1.reshape(1, HID), W2, b2.reshape(NWORDS, 1))
    return outT.T


def kernel(x, emb_table, W1, b1, W2, b2):
    idx = x.astype(jnp.int32).reshape(_NW, _NCH, _CHUNK)
    rows = _sc_gather(idx, emb_table)
    feat = rows.reshape(B, NHIST * EMB)
    return _mlp(feat, W1, b1, W2, b2)

# --- scband reference (transcript-rebuilt; emitter-appended) ---
"""Pipeline reference for scband-my-net-21157008900105 (READ-ONLY COPY).

The authoritative reference and input builder live on the scoring server;
editing this copy changes nothing except your own understanding.
"""

import jax, jax.numpy as jnp
import numpy as np

NWORDS = 100000
EMB = 16
HID = 128
NHIST = 20
B = 1024


def setup_inputs(seed: int = 0) -> dict:
    key = jax.random.key(seed)
    k1, k2, k3, k4, k5, k6 = jax.random.split(key, 6)
    x = jax.random.randint(k1, (B, NHIST), 0, NWORDS, dtype=jnp.int64 if jax.config.jax_enable_x64 else jnp.int32)
    emb_table = jax.random.normal(k2, (NWORDS, EMB), dtype=jnp.float32) * 0.02
    W1 = jax.random.normal(k3, (HID, NHIST * EMB), dtype=jnp.float32) * (1.0 / np.sqrt(NHIST * EMB))
    b1 = jnp.zeros((HID,), dtype=jnp.float32)
    W2 = jax.random.normal(k4, (NWORDS, HID), dtype=jnp.float32) * (1.0 / np.sqrt(HID))
    b2 = jnp.zeros((NWORDS,), dtype=jnp.float32)
    return {"x": x, "emb_table": emb_table, "W1": W1, "b1": b1, "W2": W2, "b2": b2}


def reference(x, emb_table, W1, b1, W2, b2):
    # emb = self.embedding(x)  -> gather rows of the embedding table
    emb = jnp.take(emb_table, x, axis=0)            # [B, NHIST, EMB]
    # feat = emb.view(emb.size(0), -1)
    feat = emb.reshape(emb.shape[0], -1)            # [B, NHIST*EMB]
    # fnn: Linear -> Dropout (identity in eval) -> Linear
    h = feat @ W1.T + b1                            # [B, HID]
    logit = h @ W2.T + b2                           # [B, NWORDS]
    return logit

if __name__ == "__main__":
    import jax
    _d = setup_inputs()
    print(jax.jit(kernel)(*tuple(_d.values())))

</pallas_src>

<mosaic_0001>
#map = affine_map<(d0, d1) -> (0, 0, 0)>
#map1 = affine_map<(d0, d1) -> (0, 0)>
#map2 = affine_map<(d0, d1) -> (0, 0, 0, 0)>
module attributes {stable_mosaic.version = 14 : i64} {
  func.func @sc_gather(%arg0: i32, %arg1: i32, %arg2: memref<32x5x128xi32, #tpu.memory_space<hbm>>, %arg3: memref<100000x16xf32, #tpu.memory_space<hbm>>, %arg4: memref<32x5x128x16xf32, #tpu.memory_space<hbm>>, %arg5: memref<5x128xi32, #tpu.memory_space<vmem>>, %arg6: memref<5x128x16xf32, #tpu.memory_space<vmem>>, %arg7: memref<!tpu.dma_semaphore, #tpu.memory_space<semaphore_mem>>) attributes {dimension_semantics = [#tpu.dimension_semantics<core_parallel>, #tpu.dimension_semantics<subcore_parallel>], iteration_bounds = array<i64: 2, 16>, scalar_prefetch = 0 : i64, scratch_operands = 3 : i64, tpu.core_type = #tpu.core_type<sc_vector_subcore>, window_params = [{transform_indices = #map}, {transform_indices = #map1}, {transform_indices = #map2}]} {
    %mul3A = arith.constant 2 : i32
    %mul3A_0 = arith.muli %arg1, %mul3A : i32
    %add3A = arith.addi %mul3A_0, %arg0 : i32
    "tpu.region"() ({
      %run_scoped3A = tpu.sem_alloc : memref<!tpu.dma_semaphore, #tpu.memory_space<semaphore_mem>>
      %dma_start3A_119 = arith.constant 0 : i32
      %dma_start3A_120 = arith.constant 0 : i32
      %dma_start3A_121 = tpu.memref_slice %arg2[%add3A, %dma_start3A_119, %dma_start3A_120] : memref<32x5x128xi32, #tpu.memory_space<hbm>> -> memref<1x5x128xi32, #tpu.memory_space<hbm>>
      %dma_start3A_122 = tpu.memref_squeeze %dma_start3A_121 : memref<1x5x128xi32, #tpu.memory_space<hbm>> -> memref<5x128xi32, #tpu.memory_space<hbm>>
      %dma_start3A_123 = arith.constant 0 : i32
      %dma_start3A_124 = arith.constant 0 : i32
      %dma_start3A_125 = tpu.memref_slice %arg2[%add3A, %dma_start3A_123, %dma_start3A_124] : memref<32x5x128xi32, #tpu.memory_space<hbm>> -> memref<1x5x128xi32, #tpu.memory_space<hbm>>
      %dma_start3A_126 = tpu.memref_squeeze %dma_start3A_125 : memref<1x5x128xi32, #tpu.memory_space<hbm>> -> memref<5x128xi32, #tpu.memory_space<hbm>>
      tpu.enqueue_dma source(%dma_start3A_126 : memref<5x128xi32, #tpu.memory_space<hbm>>) target(%arg5 : memref<5x128xi32, #tpu.memory_space<vmem>>) target_semaphore(%run_scoped3A : memref<!tpu.dma_semaphore, #tpu.memory_space<semaphore_mem>>)
      %dma_wait3A_127 = arith.constant 0 : i32
      %dma_wait3A_128 = arith.constant 0 : i32
      %dma_wait3A_129 = tpu.memref_slice %arg2[%add3A, %dma_wait3A_127, %dma_wait3A_128] : memref<32x5x128xi32, #tpu.memory_space<hbm>> -> memref<1x5x128xi32, #tpu.memory_space<hbm>>
      %dma_wait3A_130 = tpu.memref_squeeze %dma_wait3A_129 : memref<1x5x128xi32, #tpu.memory_space<hbm>> -> memref<5x128xi32, #tpu.memory_space<hbm>>
      %dma_wait3A_131 = arith.constant 0 : i32
      %dma_wait3A_132 = arith.constant 0 : i32
      %dma_wait3A_133 = tpu.memref_slice %arg2[%add3A, %dma_wait3A_131, %dma_wait3A_132] : memref<32x5x128xi32, #tpu.memory_space<hbm>> -> memref<1x5x128xi32, #tpu.memory_space<hbm>>
      %dma_wait3A_134 = tpu.memref_squeeze %dma_wait3A_133 : memref<1x5x128xi32, #tpu.memory_space<hbm>> -> memref<5x128xi32, #tpu.memory_space<hbm>>
      tpu.wait_dma2 semaphore(%run_scoped3A : memref<!tpu.dma_semaphore, #tpu.memory_space<semaphore_mem>>) src(%dma_wait3A_134 : memref<5x128xi32, #tpu.memory_space<hbm>>) dst(%arg5 : memref<5x128xi32, #tpu.memory_space<vmem>>)
      tpu.yield
    }) : () -> ()
    %dma_start3A = arith.constant 0 : i32
    %dma_start3A_1 = arith.constant 0 : i32
    %dma_start3A_2 = arith.constant 0 : i32
    %dma_start3A_3 = arith.constant 0 : i32
    %dma_start3A_4 = tpu.memref_slice %arg6[%dma_start3A_1, %dma_start3A_2, %dma_start3A_3] : memref<5x128x16xf32, #tpu.memory_space<vmem>> -> memref<1x128x16xf32, #tpu.memory_space<vmem>>
    %dma_start3A_5 = tpu.memref_squeeze %dma_start3A_4 : memref<1x128x16xf32, #tpu.memory_space<vmem>> -> memref<128x16xf32, #tpu.memory_space<vmem>>
    %dma_start3A_6 = arith.constant 0 : i32
    %dma_start3A_7 = tpu.memref_slice %arg5[%dma_start3A, %dma_start3A_6] : memref<5x128xi32, #tpu.memory_space<vmem>> -> memref<1x128xi32, #tpu.memory_space<vmem>>
    %dma_start3A_8 = tpu.memref_squeeze %dma_start3A_7 : memref<1x128xi32, #tpu.memory_space<vmem>> -> memref<128xi32, #tpu.memory_space<vmem>>
    %dma_start3A_9 = arith.constant 0 : i32
    %dma_start3A_10 = arith.constant 0 : i32
    %dma_start3A_11 = tpu.memref_slice %arg3[%dma_start3A_9, %dma_start3A_10] : memref<100000x16xf32, #tpu.memory_space<hbm>> -> memref<100000x16xf32, #tpu.memory_space<hbm>>
    tpu.enqueue_indirect_dma source(%dma_start3A_11 : memref<100000x16xf32, #tpu.memory_space<hbm>>) target(%dma_start3A_5 : memref<128x16xf32, #tpu.memory_space<vmem>>) offsets(%dma_start3A_8 : memref<128xi32, #tpu.memory_space<vmem>>) semaphore(%arg7 : memref<!tpu.dma_semaphore, #tpu.memory_space<semaphore_mem>>)
    %dma_start3A_12 = arith.constant 1 : i32
    %dma_start3A_13 = arith.constant 1 : i32
    %dma_start3A_14 = arith.constant 0 : i32
    %dma_start3A_15 = arith.constant 0 : i32
    %dma_start3A_16 = tpu.memref_slice %arg6[%dma_start3A_13, %dma_start3A_14, %dma_start3A_15] : memref<5x128x16xf32, #tpu.memory_space<vmem>> -> memref<1x128x16xf32, #tpu.memory_space<vmem>>
    %dma_start3A_17 = tpu.memref_squeeze %dma_start3A_16 : memref<1x128x16xf32, #tpu.memory_space<vmem>> -> memref<128x16xf32, #tpu.memory_space<vmem>>
    %dma_start3A_18 = arith.constant 0 : i32
    %dma_start3A_19 = tpu.memref_slice %arg5[%dma_start3A_12, %dma_start3A_18] : memref<5x128xi32, #tpu.memory_space<vmem>> -> memref<1x128xi32, #tpu.memory_space<vmem>>
    %dma_start3A_20 = tpu.memref_squeeze %dma_start3A_19 : memref<1x128xi32, #tpu.memory_space<vmem>> -> memref<128xi32, #tpu.memory_space<vmem>>
    %dma_start3A_21 = arith.constant 0 : i32
    %dma_start3A_22 = arith.constant 0 : i32
    %dma_start3A_23 = tpu.memref_slice %arg3[%dma_start3A_21, %dma_start3A_22] : memref<100000x16xf32, #tpu.memory_space<hbm>> -> memref<100000x16xf32, #tpu.memory_space<hbm>>
    tpu.enqueue_indirect_dma source(%dma_start3A_23 : memref<100000x16xf32, #tpu.memory_space<hbm>>) target(%dma_start3A_17 : memref<128x16xf32, #tpu.memory_space<vmem>>) offsets(%dma_start3A_20 : memref<128xi32, #tpu.memory_space<vmem>>) semaphore(%arg7 : memref<!tpu.dma_semaphore, #tpu.memory_space<semaphore_mem>>)
    %dma_start3A_24 = arith.constant 2 : i32
    %dma_start3A_25 = arith.constant 2 : i32
    %dma_start3A_26 = arith.constant 0 : i32
    %dma_start3A_27 = arith.constant 0 : i32
    %dma_start3A_28 = tpu.memref_slice %arg6[%dma_start3A_25, %dma_start3A_26, %dma_start3A_27] : memref<5x128x16xf32, #tpu.memory_space<vmem>> -> memref<1x128x16xf32, #tpu.memory_space<vmem>>
    %dma_start3A_29 = tpu.memref_squeeze %dma_start3A_28 : memref<1x128x16xf32, #tpu.memory_space<vmem>> -> memref<128x16xf32, #tpu.memory_space<vmem>>
    %dma_start3A_30 = arith.constant 0 : i32
    %dma_start3A_31 = tpu.memref_slice %arg5[%dma_start3A_24, %dma_start3A_30] : memref<5x128xi32, #tpu.memory_space<vmem>> -> memref<1x128xi32, #tpu.memory_space<vmem>>
    %dma_start3A_32 = tpu.memref_squeeze %dma_start3A_31 : memref<1x128xi32, #tpu.memory_space<vmem>> -> memref<128xi32, #tpu.memory_space<vmem>>
    %dma_start3A_33 = arith.constant 0 : i32
    %dma_start3A_34 = arith.constant 0 : i32
    %dma_start3A_35 = tpu.memref_slice %arg3[%dma_start3A_33, %dma_start3A_34] : memref<100000x16xf32, #tpu.memory_space<hbm>> -> memref<100000x16xf32, #tpu.memory_space<hbm>>
    tpu.enqueue_indirect_dma source(%dma_start3A_35 : memref<100000x16xf32, #tpu.memory_space<hbm>>) target(%dma_start3A_29 : memref<128x16xf32, #tpu.memory_space<vmem>>) offsets(%dma_start3A_32 : memref<128xi32, #tpu.memory_space<vmem>>) semaphore(%arg7 : memref<!tpu.dma_semaphore, #tpu.memory_space<semaphore_mem>>)
    %dma_start3A_36 = arith.constant 3 : i32
    %dma_start3A_37 = arith.constant 3 : i32
    %dma_start3A_38 = arith.constant 0 : i32
    %dma_start3A_39 = arith.constant 0 : i32
    %dma_start3A_40 = tpu.memref_slice %arg6[%dma_start3A_37, %dma_start3A_38, %dma_start3A_39] : memref<5x128x16xf32, #tpu.memory_space<vmem>> -> memref<1x128x16xf32, #tpu.memory_space<vmem>>
    %dma_start3A_41 = tpu.memref_squeeze %dma_start3A_40 : memref<1x128x16xf32, #tpu.memory_space<vmem>> -> memref<128x16xf32, #tpu.memory_space<vmem>>
    %dma_start3A_42 = arith.constant 0 : i32
    %dma_start3A_43 = tpu.memref_slice %arg5[%dma_start3A_36, %dma_start3A_42] : memref<5x128xi32, #tpu.memory_space<vmem>> -> memref<1x128xi32, #tpu.memory_space<vmem>>
    %dma_start3A_44 = tpu.memref_squeeze %dma_start3A_43 : memref<1x128xi32, #tpu.memory_space<vmem>> -> memref<128xi32, #tpu.memory_space<vmem>>
    %dma_start3A_45 = arith.constant 0 : i32
    %dma_start3A_46 = arith.constant 0 : i32
    %dma_start3A_47 = tpu.memref_slice %arg3[%dma_start3A_45, %dma_start3A_46] : memref<100000x16xf32, #tpu.memory_space<hbm>> -> memref<100000x16xf32, #tpu.memory_space<hbm>>
    tpu.enqueue_indirect_dma source(%dma_start3A_47 : memref<100000x16xf32, #tpu.memory_space<hbm>>) target(%dma_start3A_41 : memref<128x16xf32, #tpu.memory_space<vmem>>) offsets(%dma_start3A_44 : memref<128xi32, #tpu.memory_space<vmem>>) semaphore(%arg7 : memref<!tpu.dma_semaphore, #tpu.memory_space<semaphore_mem>>)
    %dma_start3A_48 = arith.constant 4 : i32
    %dma_start3A_49 = arith.constant 4 : i32
    %dma_start3A_50 = arith.constant 0 : i32
    %dma_start3A_51 = arith.constant 0 : i32
    %dma_start3A_52 = tpu.memref_slice %arg6[%dma_start3A_49, %dma_start3A_50, %dma_start3A_51] : memref<5x128x16xf32, #tpu.memory_space<vmem>> -> memref<1x128x16xf32, #tpu.memory_space<vmem>>
    %dma_start3A_53 = tpu.memref_squeeze %dma_start3A_52 : memref<1x128x16xf32, #tpu.memory_space<vmem>> -> memref<128x16xf32, #tpu.memory_space<vmem>>
    %dma_start3A_54 = arith.constant 0 : i32
    %dma_start3A_55 = tpu.memref_slice %arg5[%dma_start3A_48, %dma_start3A_54] : memref<5x128xi32, #tpu.memory_space<vmem>> -> memref<1x128xi32, #tpu.memory_space<vmem>>
    %dma_start3A_56 = tpu.memref_squeeze %dma_start3A_55 : memref<1x128xi32, #tpu.memory_space<vmem>> -> memref<128xi32, #tpu.memory_space<vmem>>
    %dma_start3A_57 = arith.constant 0 : i32
    %dma_start3A_58 = arith.constant 0 : i32
    %dma_start3A_59 = tpu.memref_slice %arg3[%dma_start3A_57, %dma_start3A_58] : memref<100000x16xf32, #tpu.memory_space<hbm>> -> memref<100000x16xf32, #tpu.memory_space<hbm>>
    tpu.enqueue_indirect_dma source(%dma_start3A_59 : memref<100000x16xf32, #tpu.memory_space<hbm>>) target(%dma_start3A_53 : memref<128x16xf32, #tpu.memory_space<vmem>>) offsets(%dma_start3A_56 : memref<128xi32, #tpu.memory_space<vmem>>) semaphore(%arg7 : memref<!tpu.dma_semaphore, #tpu.memory_space<semaphore_mem>>)
    %dma_wait3A = arith.constant 0 : i32
    %dma_wait3A_60 = arith.constant 0 : i32
    %dma_wait3A_61 = arith.constant 0 : i32
    %dma_wait3A_62 = arith.constant 0 : i32
    %dma_wait3A_63 = tpu.memref_slice %arg6[%dma_wait3A_60, %dma_wait3A_61, %dma_wait3A_62] : memref<5x128x16xf32, #tpu.memory_space<vmem>> -> memref<1x128x16xf32, #tpu.memory_space<vmem>>
    %dma_wait3A_64 = tpu.memref_squeeze %dma_wait3A_63 : memref<1x128x16xf32, #tpu.memory_space<vmem>> -> memref<128x16xf32, #tpu.memory_space<vmem>>
    %dma_wait3A_65 = arith.constant 0 : i32
    %dma_wait3A_66 = tpu.memref_slice %arg5[%dma_wait3A, %dma_wait3A_65] : memref<5x128xi32, #tpu.memory_space<vmem>> -> memref<1x128xi32, #tpu.memory_space<vmem>>
    %dma_wait3A_67 = tpu.memref_squeeze %dma_wait3A_66 : memref<1x128xi32, #tpu.memory_space<vmem>> -> memref<128xi32, #tpu.memory_space<vmem>>
    %dma_wait3A_68 = arith.constant 0 : i32
    %dma_wait3A_69 = arith.constant 0 : i32
    %dma_wait3A_70 = tpu.memref_slice %arg3[%dma_wait3A_68, %dma_wait3A_69] : memref<100000x16xf32, #tpu.memory_space<hbm>> -> memref<100000x16xf32, #tpu.memory_space<hbm>>
    tpu.wait_indirect_dma semaphore(%arg7 : memref<!tpu.dma_semaphore, #tpu.memory_space<semaphore_mem>>) src(%dma_wait3A_70 : memref<100000x16xf32, #tpu.memory_space<hbm>>) dst(%dma_wait3A_64 : memref<128x16xf32, #tpu.memory_space<vmem>>)
    %dma_wait3A_71 = arith.constant 1 : i32
    %dma_wait3A_72 = arith.constant 1 : i32
    %dma_wait3A_73 = arith.constant 0 : i32
    %dma_wait3A_74 = arith.constant 0 : i32
    %dma_wait3A_75 = tpu.memref_slice %arg6[%dma_wait3A_72, %dma_wait3A_73, %dma_wait3A_74] : memref<5x128x16xf32, #tpu.memory_space<vmem>> -> memref<1x128x16xf32, #tpu.memory_space<vmem>>
    %dma_wait3A_76 = tpu.memref_squeeze %dma_wait3A_75 : memref<1x128x16xf32, #tpu.memory_space<vmem>> -> memref<128x16xf32, #tpu.memory_space<vmem>>
    %dma_wait3A_77 = arith.constant 0 : i32
    %dma_wait3A_78 = tpu.memref_slice %arg5[%dma_wait3A_71, %dma_wait3A_77] : memref<5x128xi32, #tpu.memory_space<vmem>> -> memref<1x128xi32, #tpu.memory_space<vmem>>
    %dma_wait3A_79 = tpu.memref_squeeze %dma_wait3A_78 : memref<1x128xi32, #tpu.memory_space<vmem>> -> memref<128xi32, #tpu.memory_space<vmem>>
    %dma_wait3A_80 = arith.constant 0 : i32
    %dma_wait3A_81 = arith.constant 0 : i32
    %dma_wait3A_82 = tpu.memref_slice %arg3[%dma_wait3A_80, %dma_wait3A_81] : memref<100000x16xf32, #tpu.memory_space<hbm>> -> memref<100000x16xf32, #tpu.memory_space<hbm>>
    tpu.wait_indirect_dma semaphore(%arg7 : memref<!tpu.dma_semaphore, #tpu.memory_space<semaphore_mem>>) src(%dma_wait3A_82 : memref<100000x16xf32, #tpu.memory_space<hbm>>) dst(%dma_wait3A_76 : memref<128x16xf32, #tpu.memory_space<vmem>>)
    %dma_wait3A_83 = arith.constant 2 : i32
    %dma_wait3A_84 = arith.constant 2 : i32
    %dma_wait3A_85 = arith.constant 0 : i32
    %dma_wait3A_86 = arith.constant 0 : i32
    %dma_wait3A_87 = tpu.memref_slice %arg6[%dma_wait3A_84, %dma_wait3A_85, %dma_wait3A_86] : memref<5x128x16xf32, #tpu.memory_space<vmem>> -> memref<1x128x16xf32, #tpu.memory_space<vmem>>
    %dma_wait3A_88 = tpu.memref_squeeze %dma_wait3A_87 : memref<1x128x16xf32, #tpu.memory_space<vmem>> -> memref<128x16xf32, #tpu.memory_space<vmem>>
    %dma_wait3A_89 = arith.constant 0 : i32
    %dma_wait3A_90 = tpu.memref_slice %arg5[%dma_wait3A_83, %dma_wait3A_89] : memref<5x128xi32, #tpu.memory_space<vmem>> -> memref<1x128xi32, #tpu.memory_space<vmem>>
    %dma_wait3A_91 = tpu.memref_squeeze %dma_wait3A_90 : memref<1x128xi32, #tpu.memory_space<vmem>> -> memref<128xi32, #tpu.memory_space<vmem>>
    %dma_wait3A_92 = arith.constant 0 : i32
    %dma_wait3A_93 = arith.constant 0 : i32
    %dma_wait3A_94 = tpu.memref_slice %arg3[%dma_wait3A_92, %dma_wait3A_93] : memref<100000x16xf32, #tpu.memory_space<hbm>> -> memref<100000x16xf32, #tpu.memory_space<hbm>>
    tpu.wait_indirect_dma semaphore(%arg7 : memref<!tpu.dma_semaphore, #tpu.memory_space<semaphore_mem>>) src(%dma_wait3A_94 : memref<100000x16xf32, #tpu.memory_space<hbm>>) dst(%dma_wait3A_88 : memref<128x16xf32, #tpu.memory_space<vmem>>)
    %dma_wait3A_95 = arith.constant 3 : i32
    %dma_wait3A_96 = arith.constant 3 : i32
    %dma_wait3A_97 = arith.constant 0 : i32
    %dma_wait3A_98 = arith.constant 0 : i32
    %dma_wait3A_99 = tpu.memref_slice %arg6[%dma_wait3A_96, %dma_wait3A_97, %dma_wait3A_98] : memref<5x128x16xf32, #tpu.memory_space<vmem>> -> memref<1x128x16xf32, #tpu.memory_space<vmem>>
    %dma_wait3A_100 = tpu.memref_squeeze %dma_wait3A_99 : memref<1x128x16xf32, #tpu.memory_space<vmem>> -> memref<128x16xf32, #tpu.memory_space<vmem>>
    %dma_wait3A_101 = arith.constant 0 : i32
    %dma_wait3A_102 = tpu.memref_slice %arg5[%dma_wait3A_95, %dma_wait3A_101] : memref<5x128xi32, #tpu.memory_space<vmem>> -> memref<1x128xi32, #tpu.memory_space<vmem>>
    %dma_wait3A_103 = tpu.memref_squeeze %dma_wait3A_102 : memref<1x128xi32, #tpu.memory_space<vmem>> -> memref<128xi32, #tpu.memory_space<vmem>>
    %dma_wait3A_104 = arith.constant 0 : i32
    %dma_wait3A_105 = arith.constant 0 : i32
    %dma_wait3A_106 = tpu.memref_slice %arg3[%dma_wait3A_104, %dma_wait3A_105] : memref<100000x16xf32, #tpu.memory_space<hbm>> -> memref<100000x16xf32, #tpu.memory_space<hbm>>
    tpu.wait_indirect_dma semaphore(%arg7 : memref<!tpu.dma_semaphore, #tpu.memory_space<semaphore_mem>>) src(%dma_wait3A_106 : memref<100000x16xf32, #tpu.memory_space<hbm>>) dst(%dma_wait3A_100 : memref<128x16xf32, #tpu.memory_space<vmem>>)
    %dma_wait3A_107 = arith.constant 4 : i32
    %dma_wait3A_108 = arith.constant 4 : i32
    %dma_wait3A_109 = arith.constant 0 : i32
    %dma_wait3A_110 = arith.constant 0 : i32
    %dma_wait3A_111 = tpu.memref_slice %arg6[%dma_wait3A_108, %dma_wait3A_109, %dma_wait3A_110] : memref<5x128x16xf32, #tpu.memory_space<vmem>> -> memref<1x128x16xf32, #tpu.memory_space<vmem>>
    %dma_wait3A_112 = tpu.memref_squeeze %dma_wait3A_111 : memref<1x128x16xf32, #tpu.memory_space<vmem>> -> memref<128x16xf32, #tpu.memory_space<vmem>>
    %dma_wait3A_113 = arith.constant 0 : i32
    %dma_wait3A_114 = tpu.memref_slice %arg5[%dma_wait3A_107, %dma_wait3A_113] : memref<5x128xi32, #tpu.memory_space<vmem>> -> memref<1x128xi32, #tpu.memory_space<vmem>>
    %dma_wait3A_115 = tpu.memref_squeeze %dma_wait3A_114 : memref<1x128xi32, #tpu.memory_space<vmem>> -> memref<128xi32, #tpu.memory_space<vmem>>
    %dma_wait3A_116 = arith.constant 0 : i32
    %dma_wait3A_117 = arith.constant 0 : i32
    %dma_wait3A_118 = tpu.memref_slice %arg3[%dma_wait3A_116, %dma_wait3A_117] : memref<100000x16xf32, #tpu.memory_space<hbm>> -> memref<100000x16xf32, #tpu.memory_space<hbm>>
    tpu.wait_indirect_dma semaphore(%arg7 : memref<!tpu.dma_semaphore, #tpu.memory_space<semaphore_mem>>) src(%dma_wait3A_118 : memref<100000x16xf32, #tpu.memory_space<hbm>>) dst(%dma_wait3A_112 : memref<128x16xf32, #tpu.memory_space<vmem>>)
    "tpu.region"() ({
      %run_scoped3A = tpu.sem_alloc : memref<!tpu.dma_semaphore, #tpu.memory_space<semaphore_mem>>
      %dma_start3A_119 = arith.constant 0 : i32
      %dma_start3A_120 = arith.constant 0 : i32
      %dma_start3A_121 = arith.constant 0 : i32
      %dma_start3A_122 = tpu.memref_slice %arg4[%add3A, %dma_start3A_119, %dma_start3A_120, %dma_start3A_121] : memref<32x5x128x16xf32, #tpu.memory_space<hbm>> -> memref<1x5x128x16xf32, #tpu.memory_space<hbm>>
      %dma_start3A_123 = tpu.memref_squeeze %dma_start3A_122 : memref<1x5x128x16xf32, #tpu.memory_space<hbm>> -> memref<5x128x16xf32, #tpu.memory_space<hbm>>
      %dma_start3A_124 = arith.constant 0 : i32
      %dma_start3A_125 = arith.constant 0 : i32
      %dma_start3A_126 = arith.constant 0 : i32
      %dma_start3A_127 = tpu.memref_slice %arg4[%add3A, %dma_start3A_124, %dma_start3A_125, %dma_start3A_126] : memref<32x5x128x16xf32, #tpu.memory_space<hbm>> -> memref<1x5x128x16xf32, #tpu.memory_space<hbm>>
      %dma_start3A_128 = tpu.memref_squeeze %dma_start3A_127 : memref<1x5x128x16xf32, #tpu.memory_space<hbm>> -> memref<5x128x16xf32, #tpu.memory_space<hbm>>
      tpu.enqueue_dma source(%arg6 : memref<5x128x16xf32, #tpu.memory_space<vmem>>) target(%dma_start3A_128 : memref<5x128x16xf32, #tpu.memory_space<hbm>>) target_semaphore(%run_scoped3A : memref<!tpu.dma_semaphore, #tpu.memory_space<semaphore_mem>>)
      %dma_wait3A_129 = arith.constant 0 : i32
      %dma_wait3A_130 = arith.constant 0 : i32
      %dma_wait3A_131 = arith.constant 0 : i32
      %dma_wait3A_132 = tpu.memref_slice %arg4[%add3A, %dma_wait3A_129, %dma_wait3A_130, %dma_wait3A_131] : memref<32x5x128x16xf32, #tpu.memory_space<hbm>> -> memref<1x5x128x16xf32, #tpu.memory_space<hbm>>
      %dma_wait3A_133 = tpu.memref_squeeze %dma_wait3A_132 : memref<1x5x128x16xf32, #tpu.memory_space<hbm>> -> memref<5x128x16xf32, #tpu.memory_space<hbm>>
      %dma_wait3A_134 = arith.constant 0 : i32
      %dma_wait3A_135 = arith.constant 0 : i32
      %dma_wait3A_136 = arith.constant 0 : i32
      %dma_wait3A_137 = tpu.memref_slice %arg4[%add3A, %dma_wait3A_134, %dma_wait3A_135, %dma_wait3A_136] : memref<32x5x128x16xf32, #tpu.memory_space<hbm>> -> memref<1x5x128x16xf32, #tpu.memory_space<hbm>>
      %dma_wait3A_138 = tpu.memref_squeeze %dma_wait3A_137 : memref<1x5x128x16xf32, #tpu.memory_space<hbm>> -> memref<5x128x16xf32, #tpu.memory_space<hbm>>
      tpu.wait_dma2 semaphore(%run_scoped3A : memref<!tpu.dma_semaphore, #tpu.memory_space<semaphore_mem>>) src(%arg6 : memref<5x128x16xf32, #tpu.memory_space<vmem>>) dst(%dma_wait3A_138 : memref<5x128x16xf32, #tpu.memory_space<hbm>>)
      tpu.yield
    }) : () -> ()
    return
  }
}

module attributes {stable_mosaic.version = 14 : i64} {
  func.func @_mlp_body(%arg0: i32, %arg1: memref<1024x320xf32, #tpu.memory_space<vmem>>, %arg2: memref<128x320xf32, #tpu.memory_space<vmem>>, %arg3: memref<1x128xf32, #tpu.memory_space<vmem>>, %arg4: memref<5120x128xf32, #tpu.memory_space<vmem>>, %arg5: memref<5120x1xf32, #tpu.memory_space<vmem>>, %arg6: memref<5120x1024xf32, #tpu.memory_space<vmem>>, %arg7: memref<1024x128xf32, #tpu.memory_space<vmem>>) attributes {dimension_semantics = [#tpu.dimension_semantics<arbitrary>], iteration_bounds = array<i64: 20>, scalar_prefetch = 0 : i64, scratch_operands = 1 : i64, tpu.core_type = #tpu.core_type<tc>, window_params = [{pipeline_mode = #tpu.pipeline_mode<synchronous>, transform_indices = @transform_0, window_bounds = array<i64: 1024, 320>}, {pipeline_mode = #tpu.pipeline_mode<synchronous>, transform_indices = @transform_1, window_bounds = array<i64: 128, 320>}, {pipeline_mode = #tpu.pipeline_mode<synchronous>, transform_indices = @transform_2, window_bounds = array<i64: 1, 128>}, {transform_indices = @transform_3, window_bounds = array<i64: 5120, 128>}, {transform_indices = @transform_4, window_bounds = array<i64: 5120, 1>}, {transform_indices = @transform_5, window_bounds = array<i64: 5120, 1024>}]} {
    %eq3A = arith.constant 0 : i32
    %eq3A_0 = arith.cmpi eq, %arg0, %eq3A : i32
    %convert_element_type3A = arith.extui %eq3A_0 : i1 to i32
    %cond3A = arith.constant 0 : i32
    %cond3A_1 = arith.cmpi ne, %convert_element_type3A, %cond3A : i32
    scf.if %cond3A_1 {
      %get3A_14 = arith.constant 0 : index
      %get3A_15 = arith.constant 0 : index
      %get3A_16 = vector.load %arg1[%get3A_14, %get3A_15] : memref<1024x320xf32, #tpu.memory_space<vmem>>, vector<1024x320xf32>
      %get3A_17 = arith.constant 0 : index
      %get3A_18 = arith.constant 0 : index
      %get3A_19 = vector.load %arg2[%get3A_17, %get3A_18] : memref<128x320xf32, #tpu.memory_space<vmem>>, vector<128x320xf32>
      %dot_general3A_20 = arith.constant dense<0.000000e+00> : vector<1024x128xf32>
      %dot_general3A_21 = tpu.matmul %get3A_16, %get3A_19, %dot_general3A_20 {dimension_numbers = #tpu.dot_dimension_numbers<[1], [1], [0], [0], [0, 0, 1, 0], [], []>, transpose_lhs_hint = false} : vector<1024x320xf32>, vector<128x320xf32>, vector<1024x128xf32> -> vector<1024x128xf32>
      %get3A_22 = arith.constant 0 : index
      %get3A_23 = arith.constant 0 : index
      %get3A_24 = vector.load %arg3[%get3A_22, %get3A_23] : memref<1x128xf32, #tpu.memory_space<vmem>>, vector<1x128xf32>
      %add3A_25 = vector.broadcast %get3A_24 : vector<1x128xf32> to vector<1024x128xf32>
      %add3A_26 = arith.addf %dot_general3A_21, %add3A_25 : vector<1024x128xf32>
      %swap3A_27 = arith.constant 0 : index
      %swap3A_28 = arith.constant 0 : index
      %swap3A_29 = vector.load %arg7[%swap3A_27, %swap3A_28] : memref<1024x128xf32, #tpu.memory_space<vmem>>, vector<1024x128xf32>
      tpu.vector_store %arg7[%swap3A_27, %swap3A_28], %add3A_26 {strides = array<i32>} : memref<1024x128xf32, #tpu.memory_space<vmem>>, vector<1024x128xf32>,
    } else {
    }
    %get3A = arith.constant 0 : index
    %get3A_2 = arith.constant 0 : index
    %get3A_3 = vector.load %arg4[%get3A, %get3A_2] : memref<5120x128xf32, #tpu.memory_space<vmem>>, vector<5120x128xf32>
    %get3A_4 = arith.constant 0 : index
    %get3A_5 = arith.constant 0 : index
    %get3A_6 = vector.load %arg7[%get3A_4, %get3A_5] : memref<1024x128xf32, #tpu.memory_space<vmem>>, vector<1024x128xf32>
    %dot_general3A = arith.constant dense<0.000000e+00> : vector<5120x1024xf32>
    %dot_general3A_7 = tpu.matmul %get3A_3, %get3A_6, %dot_general3A {dimension_numbers = #tpu.dot_dimension_numbers<[1], [1], [0], [0], [0, 0, 1, 0], [], []>, transpose_lhs_hint = false} : vector<5120x128xf32>, vector<1024x128xf32>, vector<5120x1024xf32> -> vector<5120x1024xf32>
    %get3A_8 = arith.constant 0 : index
    %get3A_9 = arith.constant 0 : index
    %get3A_10 = vector.load %arg5[%get3A_8, %get3A_9] : memref<5120x1xf32, #tpu.memory_space<vmem>>, vector<5120x1xf32>
    %add3A = vector.broadcast %get3A_10 : vector<5120x1xf32> to vector<5120x1024xf32>
    %add3A_11 = arith.addf %dot_general3A_7, %add3A : vector<5120x1024xf32>
    %swap3A = arith.constant 0 : index
    %swap3A_12 = arith.constant 0 : index
    %swap3A_13 = vector.load %arg6[%swap3A, %swap3A_12] : memref<5120x1024xf32, #tpu.memory_space<vmem>>, vector<5120x1024xf32>
    tpu.vector_store %arg6[%swap3A, %swap3A_12], %add3A_11 {strides = array<i32>} : memref<5120x1024xf32, #tpu.memory_space<vmem>>, vector<5120x1024xf32>,
    return
  }
  func.func @transform_0(%arg0: i32) -> (i32, i32) {
    %c0_i32 = arith.constant 0 : i32
    %c0_i32_0 = arith.constant 0 : i32
    %c0_i32_1 = arith.constant 0 : i32
    return %c0_i32, %c0_i32_0 : i32, i32
  }
  func.func @transform_1(%arg0: i32) -> (i32, i32) {
    %c0_i32 = arith.constant 0 : i32
    %c0_i32_0 = arith.constant 0 : i32
    %c0_i32_1 = arith.constant 0 : i32
    return %c0_i32, %c0_i32_0 : i32, i32
  }
  func.func @transform_2(%arg0: i32) -> (i32, i32) {
    %c0_i32 = arith.constant 0 : i32
    %c0_i32_0 = arith.constant 0 : i32
    %c0_i32_1 = arith.constant 0 : i32
    return %c0_i32, %c0_i32_0 : i32, i32
  }
  func.func @transform_3(%arg0: i32) -> (i32, i32) {
    %c0_i32 = arith.constant 0 : i32
    %c0_i32_0 = arith.constant 0 : i32
    return %arg0, %c0_i32 : i32, i32
  }
  func.func @transform_4(%arg0: i32) -> (i32, i32) {
    %c0_i32 = arith.constant 0 : i32
    %c0_i32_0 = arith.constant 0 : i32
    return %arg0, %c0_i32 : i32, i32
  }
  func.func @transform_5(%arg0: i32) -> (i32, i32) {
    %c0_i32 = arith.constant 0 : i32
    %c0_i32_0 = arith.constant 0 : i32
    return %arg0, %c0_i32 : i32, i32
  }
}

</mosaic_0001>

<sc_bundles>
// kernel: kernel.4.cloned.1.call-start
scs
__scs_entry_jumppad:
0x0: {  	(pc) =	sbr.rel $0x88, $3  }
0x1: {  	(tag) =	ssettag $0x0;
	lr =	simm.s32 $0x1  }
0x2: {  	[smem:$0x3F9B] =	sst lr;
	_ =	strace $0xD0000000  }
0x3: {  	_ = 	snop  }
0x4: {  	_ = 	snop  }
0x5: {  	_ = 	snop  }
0x6: {  	_ = 	snop  }
0x7: {  	_ = 	snop  }
__scs_overlays_trampoline_lowered:
0x8: {  	[smem:$0x3FAA] =	sst s0  }
0x9: {  	[smem:$0x3FAB] =	sst s1  }
0xa: {  	[smem:$0x3FAC] =	sst s2  }
0xb: {  	[smem:$0x3FAD] =	sst s3  }
0xc: {  	[smem:$0x3FAE] =	sst s4  }
0xd: {  	[smem:$0x3FAF] =	sst s5  }
0xe: {  	[smem:$0x3FB0] =	sst s6  }
0xf: {  	[smem:$0x3FB1] =	sst s7  }
0x10: {  	[smem:$0x3FB2] =	sst s8  }
0x11: {  	[smem:$0x3FB3] =	sst s9;
	s0 =	simm.s32 @!p0 $0x0  }
0x12: {  	s1 =	sld [smem:$0x3F99];
	s0 =	simm.s32 @p0 $0x1  }
0x13: {  	[smem:$0x3FB4] =	sst s0;
	s0 =	simm.s32 @!p1 $0x0  }
0x14: {  	s2 =	sld [smem:$0x3F98];
	s0 =	simm.s32 @p1 $0x1  }
0x15: {  	[smem:$0x3FB5] =	sst s0;
	s0 =	simm.s32 @!p2 $0x0  }
0x16: {  	s3 =	sld [smem:$0x3FDB];
	s0 =	simm.s32 @p2 $0x1  }
0x17: {  	s4 =	simm.s32 $0x1BF5;
	[smem:$0x3FB7] =	sst s0  }
0x18: {  	s0 =	sld [smem:$0x3F9A];
	_ =	swait.ge [sflag:s4], $0x0  }
0x19: {  	s7 =	sld [smem:$0x3F9B]  }
0x1a: {  	s8 =	sadd.s32 $0xFFFFE003, lr  }
0x1b: {  	s9 =	sadd.s32 $0xFFFFFEF7, lr;
	s5 =	simm.s32 $0xFFFFFFFF;
	p2 =	slt.u32 s8, $0xFFFFF086  }
0x1c: {  	p1 =	slt.u32 s9, $0xF7A;
	s5 =	simm.s32 @!p2 $0x0  }
0x1d: {  	s5 =	simm.s32 @p1 $0x1;
	p0 =	seq.s32 s7, s2  }
0x1e: {  	s7 =	smul.u32 @!p0 $0xF7A, s2;
	p2 =	seq.s32 @!p0 s5, $0x0  }
0x1f: {  	s9 =	smul.u32 $0xF7A, s1;
	s8 =	simm.s32 @!p0 $0x1BF5;
	p2 =	por !p2, p0  }
0x20: {  	[sflag:s8] =	ssyncset.s32 @!p0 $0xFFFFF086;
	s6 =	sadd.s32 @!p0 s3, s7;
	s7 =	simm.s32 @!p0 $0x108  }
0x21: {  	s3 =	sadd.s32 s3, s9;
	s6 =	sadd.s32 @!p0 $0x88, s6;
	s7 =	simm.s32 @p2 $0x1082  }
0x22: {  	[simem:s7], [sflag:s8] =	dma.local @!p0 [hbm:s6], $0xF7A  }
0x23: {  	s9 =	sor.u32 $0xD0000000, s2;
	s6 =	simm.s32 $0x108;
	_ =	swait.ge @!p0 [sflag:s8], $0x0  }
0x24: {  	s3 =	sadd.s32 $0x88, s3;
	s6 =	simm.s32 @!p1 $0x1082;
	[sflag:s4] =	ssyncset.s32 $0xFFFFF086  }
0x25: {  	[simem:s6], [sflag:s4] =	dma.local [hbm:s3], $0xF7A  }
0x26: {  	[smem:$0x3F9B] =	sst s1;
	(tag) =	ssettag s2;
	_ =	strace s9  }
0x27: {  	s1 =	sld [smem:$0x3FAB]  }
0x28: {  	s2 =	sld [smem:$0x3FAC]  }
0x29: {  	s4 =	sld [smem:$0x3FAE]  }
0x2a: {  	p0 =	seq.s32 s5, $0x0;
	s5 =	sld [smem:$0x3FAF]  }
0x2b: {  	s6 =	sld [smem:$0x3FB0]  }
0x2c: {  	s7 =	sld [smem:$0x3FB1]  }
0x2d: {  	s3 =	simm.s32 $0x108;
	s8 =	sld [smem:$0x3FB2]  }
0x2e: {  	s3 =	simm.s32 @!p0 $0x1082;
	s9 =	sld [smem:$0x3FB3]  }
0x2f: {  	lr =	sadd.s32 s0, s3;
	s0 =	sld [smem:$0x3FAA]  }
0x30: {  	s3 =	sld [smem:$0x3FAD]  }
0x31: {  	[smem:$0x3FB6] =	sst s10  }
0x32: {  	s10 =	sld [smem:$0x3FB4];
	_ =	sdelay $0x3  }
0x33: {  	p0 =	seq.s32 s10, $0x1;
	s10 =	sld [smem:$0x3FB6];
	_ =	sdelay $0x3  }
0x34: {  	[smem:$0x3FB6] =	sst s10  }
0x35: {  	s10 =	sld [smem:$0x3FB5];
	_ =	sdelay $0x3  }
0x36: {  	p1 =	seq.s32 s10, $0x1;
	s10 =	sld [smem:$0x3FB6];
	_ =	sdelay $0x3  }
0x37: {  	[smem:$0x3FB6] =	sst s10  }
0x38: {  	s10 =	sld [smem:$0x3FB7]  }
0x39: {  	_ = 	snop;
	(pc) =	sbr.ind lr, $3  }
0x3a: {  	_ = 	snop  }
0x3b: {  	_ = 	snop  }
0x3c: {  	p2 =	seq.s32 s10, $0x1;
	s10 =	sld [smem:$0x3FB6]  }
0x3d: {  	_ =	shalt  }
0x3e: {  	_ =	shalt  }
0x3f: {  	_ =	shalt  }
0x40: {  	_ =	shalt  }
0x41: {  	_ =	shalt  }
0x42: {  	_ =	shalt  }
0x43: {  	_ =	shalt  }
0x44: {  	_ =	shalt  }
0x45: {  	_ =	shalt  }
0x46: {  	_ =	shalt  }
0x47: {  	_ =	shalt  }
0x48: {  	_ =	shalt  }
0x49: {  	_ =	shalt  }
0x4a: {  	_ =	shalt  }
0x4b: {  	_ =	shalt  }
0x4c: {  	_ =	shalt  }
0x4d: {  	_ =	shalt  }
0x4e: {  	_ =	shalt  }
0x4f: {  	_ =	shalt  }
0x50: {  	_ =	shalt  }
0x51: {  	_ =	shalt  }
0x52: {  	_ =	shalt  }
0x53: {  	_ =	shalt  }
0x54: {  	_ =	shalt  }
0x55: {  	_ =	shalt  }
0x56: {  	_ =	shalt  }
0x57: {  	_ =	shalt  }
0x58: {  	_ =	shalt  }
0x59: {  	_ =	shalt  }
0x5a: {  	_ =	shalt  }
0x5b: {  	_ =	shalt  }
0x5c: {  	_ =	shalt  }
0x5d: {  	_ =	shalt  }
0x5e: {  	_ =	shalt  }
0x5f: {  	_ =	shalt  }
0x60: {  	_ =	shalt  }
0x61: {  	_ =	shalt  }
0x62: {  	_ =	shalt  }
0x63: {  	_ =	shalt  }
0x64: {  	_ =	shalt  }
0x65: {  	_ =	shalt  }
0x66: {  	_ =	shalt  }
0x67: {  	_ =	shalt  }
0x68: {  	_ =	shalt  }
0x69: {  	_ =	shalt  }
0x6a: {  	_ =	shalt  }
0x6b: {  	_ =	shalt  }
0x6c: {  	_ =	shalt  }
0x6d: {  	_ =	shalt  }
0x6e: {  	_ =	shalt  }
0x6f: {  	_ =	shalt  }
0x70: {  	_ =	shalt  }
0x71: {  	_ =	shalt  }
0x72: {  	_ =	shalt  }
0x73: {  	_ =	shalt  }
0x74: {  	_ =	shalt  }
0x75: {  	_ =	shalt  }
0x76: {  	_ =	shalt  }
0x77: {  	_ =	shalt  }
0x78: {  	_ =	shalt  }
0x79: {  	_ =	shalt  }
0x7a: {  	_ =	shalt  }
0x7b: {  	_ =	shalt  }
0x7c: {  	_ =	shalt  }
0x7d: {  	_ =	shalt  }
0x7e: {  	_ =	shalt  }
0x7f: {  	_ =	shalt  }
0x80: {  	_ =	shalt  }
0x81: {  	_ =	shalt  }
0x82: {  	_ =	shalt  }
0x83: {  	_ =	shalt  }
0x84: {  	_ =	shalt  }
0x85: {  	_ =	shalt  }
0x86: {  	_ =	shalt  }
0x87: {  	_ =	shalt  }
.Lfunc_end0:
.L_simem_size_0:
called_computation_lowered:
.L_overlay_start_0:
0x88: {  	s2 =	sld [smem:$0x3FD9]  }
0x89: {  	s3 =	sld [smem:$0x3FFE];
	_ =	sdelay $0x1  }
0x8a: {  	s1 =	srdreg.scid  }
0x8b: {  	s0 =	sand.u32 $0x1, s1  }
0x8c: {  	s17 =	sshll.u32 s0, $0xA;
	s2 =	sadd.s32 s3, s2  }
0x8d: {  	s2 =	sadd.s32 s2, s17  }
0x8e: {  	[smem:$0x3FC2] =	sst s2  }
0x8f: {  	_ = 	snop  }
0x90: {  	s2 =	sld [smem:$0x3FD0];
	(tm) =	ssettm $0x1  }
0x91: {  	s18 =	sld [smem:$0x3FFB];
	_ =	sdelay $0x3  }
0x92: {  	_ =	strace s18  }
0x93: {  	s3 =	sld [smem:$0x3FFC];
	_ =	sdelay $0x3  }
0x94: {  	_ =	strace s3  }
0x95: {  	s3 =	sld [smem:$0x3FFD];
	_ =	sdelay $0x3  }
0x96: {  	_ =	strace s3  }
0x97: {  	_ =	strace $0x8FFFFFFF  }
0x98: {  	s19 =	sld [smem:$0x3FDB];
	_ =	sdelay $0x1  }
0x99: {  	s4 =	simm.s32 $_scs_section_size  }
0x9a: {  	s5 =	simm.s32 $_size__tile_overlayer_lowered;
	s6 =	simm.s32 $_tile_overlayer_lowered  }
0x9b: {  	s22 =	simm.s32 $0x1BFF;
	s21 =	sshll.u32 s6, $0x1;
	s3 =	sadd.s32 s4, s19  }
0x9c: {  	s7 =	simm.s32 $0x0;
	s20 =	sshll.u32 s5, $0x1;
	s5 =	sadd.s32 s21, s3  }
0x9d: {  	[timem:s7], [sflag:s22] =	dma.local [hbm:s5], s20  }
0x9e: {  	_ =	swait.ge [sflag:s22], s20  }
0x9f: {  	s4 =	ssub.s32 $0x0, s20;
	[sflag:s22] =	ssyncset.done $0x0  }
0xa0: {  	[sflag:s22] =	ssyncadd.s32 s4;
	_ =	sdelay $0x1  }
0xa1: {  	s23 =	simm.s32 $0x1B8B  }
0xa2: {  	_ =	swait.ge [sflag:s23], $0x1  }
0xa3: {  	[sflag:s23] =	ssyncset.done $0x0  }
0xa4: {  	s25 =	simm.s32 $0x1B8E;
	s24 =	sld [smem:$0x3FFE];
	[sflag:s23] =	ssyncadd.s32 $0xFFFFFFFF  }
0xa5: {  	s26 =	simm.s32 $execute0_lowered;
	[smem:$0x3FD2] =	sst s25  }
0xa6: {  	s5 =	sshll.u32 s26, $0x1;
	_ =	strace $0x80000046;
	[dreg:$0x1] =	wrdreg $0xFFFFFFFF  }
0xa7: {  	s28 =	simm.s32 $_size_execute0_lowered;
	s3 =	sadd.s32 s3, s5;
	[dreg:$0x0] =	wrdreg $0x0  }
0xa8: {  	s5 =	sshll.u32 s28, $0x1;
	[dreg:$0x2] =	wrdreg s3  }
0xa9: {  	[dreg:$0x3] =	wrdreg s5  }
0xaa: {  	[dreg:$0x4] =	wrdreg $0xC0  }
0xab: {  	_ =	task [dreg:s7], $0x5FFFF  }
0xac: {  	[dreg:$0x1] =	wrdreg $0xFFFFFFFF  }
0xad: {  	[dreg:$0x0] =	wrdreg $0x60  }
0xae: {  	[dreg:$0x2] =	wrdreg s24  }
0xaf: {  	[dreg:$0x3] =	wrdreg s2  }
0xb0: {  	[dreg:$0x4] =	wrdreg $0x9  }
0xb1: {  	_ =	task.clear_ibuf [dreg:s7], $0x5FFFF;
	_ =	strace $0x90000046  }
0xb2: {  	s29 =	simm.s32 $0x9;
	_ =	strace $0x80000048  }
0xb3: {  	_ =	swait.ge [sflag:s29], $0x1  }
0xb4: {  	[sflag:s29] =	ssyncadd.s32 $0xFFFFFFFF  }
0xb5: {  	_ =	strace $0x90000048  }
0xb6: {  	_ =	sfence  }
0xb7: {  	s30 =	sld [smem:$0x0];
	_ =	sdelay $0x2  }
0xb8: {  	s31 =	sshll.u32 s1, $0xD;
	s1 =	sshrl.u32 s1, $0x2  }
0xb9: {  	s3 =	sand.u32 $0x4000, s31;
	s1 =	sadd.s32 s1, s30  }
0xba: {  	s0 =	sor.u32 s3, s0;
	s1 =	sshll.u32 s1, $0x11  }
0xbb: {  	s0 =	sor.u32 s1, s0  }
0xbc: {  	s0 =	sadd.s32 $0x8F2B, s0  }
0xbd: {  	[sflag:s0] =	ssyncadd.remote.s32 $0x1  }
0xbe: {  	_ =	sfence.sel $0xFFFF  }
0xbf: {  	[dreg:$0x0] =	wrdreg $0xFFFFFFFF;
	(pc) =	sbr.abs _section_cstart, $3  }
0xc0: {  	[dreg:$0x1] =	wrdreg $0xFFFFFFFF  }
0xc1: {  	_ =	task.clear_ibuf [dreg:s7], $0x2FFFF;
	_ =	strace $0x9FFFFFFF  }
0xc2: {  	(tm) =	ssettm $0x7FFFFFFF  }
0xc3: {  	_ =	shalt  }
tec
execute0_lowered:
.L_overlay_start_1:
0x0: {  	(tag) =	ssettag $0x1  }
0x1: {  	s1 =	srdreg.scid;
	s0 =	stileid.u32  }
0x2: {  	s16 =	sand.u32 $0x1, s1;
	s30 =	sshll.u32 s0, $0x1  }
0x3: {  	s5 =	rddreg [dreg:$0x0];
	s17 =	sor.u32 s16, s30  }
0x4: {  	s18 =	rddreg [dreg:$0x1];
	s3 =	smul.u32 $0x50, s17  }
0x5: {  	s2 =	simm.s32 $0x0;
	s1 =	rddreg [dreg:$0x2]  }
0x6: {  	[smem:$0x7FF] =	sst s2;
	s3 =	sadd.s32 s3, s5  }
0x7: {  	_ =	strace $0x80000047;
	s4 =	sadd.s32 $0x800, s3;
	s3 =	simm.s32 $0x2  }
0x8: {  	[tilespmem:s2], [sflag:$0x2] =	stream.linear.gather [hbm4b:s4+s2], $0x280, $0x38;
	[tilespmem:$0x2A80] =	vst v63  }
0x9: {  	_ =	swait.ge [sflag:s3], $0x280  }
0xa: {  	s6 =	simm.s32 $0x80;
	[sflag:s3] =	ssyncset.done $0x0  }
0xb: {  	s7 =	simm.s32 $0x280;
	s5 =	sadd.s32 $0x1200, s5;
	[sflag:s3] =	ssyncadd.s32 $0xFFFFFD80  }
0xc: {  	[tilespmem:s7], [sflag:$0x1] =	stream.indirect.gather [hbm4b:s5+s6], $0x10, s2, s6, $0xb8;
	[tilespmem:$0x2A80] =	vst v63  }
0xd: {  	s8 =	simm.s32 $0xA80  }
0xe: {  	[tilespmem:s8], [sflag:$0x1] =	stream.indirect.gather [hbm4b:s5+s6], $0x10, s6, s6, $0xb8;
	[tilespmem:$0x2A80] =	vst v63  }
0xf: {  	s9 =	simm.s32 $0x100;
	s10 =	simm.s32 $0x1280  }
0x10: {  	[tilespmem:s10], [sflag:$0x1] =	stream.indirect.gather [hbm4b:s5+s6], $0x10, s9, s6, $0xb8;
	[tilespmem:$0x2A80] =	vst v63  }
0x11: {  	s11 =	simm.s32 $0x180;
	s12 =	simm.s32 $0x1A80  }
0x12: {  	[tilespmem:s12], [sflag:$0x1] =	stream.indirect.gather [hbm4b:s5+s6], $0x10, s11, s6, $0xb8;
	[tilespmem:$0x2A80] =	vst v63  }
0x13: {  	s13 =	simm.s32 $0x200;
	s14 =	simm.s32 $0x2280;
	s15 =	simm.s32 $0x1  }
0x14: {  	[tilespmem:s14], [sflag:$0x1] =	stream.indirect.gather [hbm4b:s5+s6], $0x10, s13, s6, $0xb8;
	[tilespmem:$0x2A80] =	vst v63  }
0x15: {  	_ =	swait.ge [sflag:s15], $0x800  }
0x16: {  	[sflag:s15] =	ssyncset.done $0x0  }
0x17: {  	[sflag:s15] =	ssyncadd.s32 $0xFFFFF800  }
0x18: {  	_ =	swait.ge [sflag:s15], $0x800  }
0x19: {  	[sflag:s15] =	ssyncset.done $0x0  }
0x1a: {  	[sflag:s15] =	ssyncadd.s32 $0xFFFFF800  }
0x1b: {  	_ =	swait.ge [sflag:s15], $0x800  }
0x1c: {  	[sflag:s15] =	ssyncset.done $0x0  }
0x1d: {  	s16 =	ssub.s32 $0x2, s16;
	[sflag:s15] =	ssyncadd.s32 $0xFFFFF800  }
0x1e: {  	s19 =	sshrl.u32 s16, $0x1;
	_ =	swait.ge [sflag:s15], $0x800  }
0x1f: {  	s19 =	ssub.s32 s16, s19;
	[sflag:s15] =	ssyncset.done $0x0  }
0x20: {  	s31 =	smax.u32 s19, $0x1;
	[sflag:s15] =	ssyncadd.s32 $0xFFFFF800  }
0x21: {  	s17 =	smul.u32 $0x500, s17;
	p0 =	sne.s32 s31, $0x1;
	_ =	swait.ge [sflag:s15], $0x800  }
.Ltmp0:
0x22: {  	[sflag:s15] =	ssyncset.done $0x0;
	(pc) =	sbr.rel @!p0 .LBB2_2-.Ltmp0, $4  }
0x23: {  	s16 =	sadd.s32 s18, s17;
	[sflag:s15] =	ssyncadd.s32 $0xFFFFF800  }
0x24: {  	[hbm4b:s16+s2] =	stream.linear.scatter [tilespmem:s7], [sflag:$0x2], $0x2800, $0x38;
	[tilespmem:$0x2A80] =	vst v63  }
0x25: {  	_ =	swait.ge [sflag:s3], $0x2800  }
0x26: {  	s17 =	sadd.s32 $0xFFFFFFFF, s31;
	[sflag:s3] =	ssyncset.done $0x0  }
.LBB2_1:
0x27: {  	p0 =	sne.s32 s17, $0x1;
	s17 =	sadd.s32 $0xFFFFFFFF, s17;
	[sflag:s3] =	ssyncadd.s32 $0xFFFFD800  }
0x28: {  	[tilespmem:s2], [sflag:$0x2] =	stream.linear.gather [hbm4b:s4+s2], $0x280, $0x38;
	[tilespmem:$0x2A80] =	vst v63  }
0x29: {  	_ =	swait.ge [sflag:s3], $0x280  }
0x2a: {  	[sflag:s3] =	ssyncset.done $0x0  }
0x2b: {  	[sflag:s3] =	ssyncadd.s32 $0xFFFFFD80  }
0x2c: {  	[tilespmem:s7], [sflag:$0x1] =	stream.indirect.gather [hbm4b:s5+s6], $0x10, s2, s6, $0xb8;
	[tilespmem:$0x2A80] =	vst v63  }
0x2d: {  	_ = 	snop  }
0x2e: {  	[tilespmem:s8], [sflag:$0x1] =	stream.indirect.gather [hbm4b:s5+s6], $0x10, s6, s6, $0xb8;
	[tilespmem:$0x2A80] =	vst v63  }
0x2f: {  	_ = 	snop  }
0x30: {  	[tilespmem:s10], [sflag:$0x1] =	stream.indirect.gather [hbm4b:s5+s6], $0x10, s9, s6, $0xb8;
	[tilespmem:$0x2A80] =	vst v63  }
0x31: {  	_ = 	snop  }
0x32: {  	[tilespmem:s12], [sflag:$0x1] =	stream.indirect.gather [hbm4b:s5+s6], $0x10, s11, s6, $0xb8;
	[tilespmem:$0x2A80] =	vst v63  }
0x33: {  	_ = 	snop  }
0x34: {  	[tilespmem:s14], [sflag:$0x1] =	stream.indirect.gather [hbm4b:s5+s6], $0x10, s13, s6, $0xb8;
	[tilespmem:$0x2A80] =	vst v63  }
0x35: {  	_ =	swait.ge [sflag:s15], $0x800  }
0x36: {  	[sflag:s15] =	ssyncset.done $0x0  }
0x37: {  	[sflag:s15] =	ssyncadd.s32 $0xFFFFF800  }
0x38: {  	_ =	swait.ge [sflag:s15], $0x800  }
0x39: {  	[sflag:s15] =	ssyncset.done $0x0  }
0x3a: {  	[sflag:s15] =	ssyncadd.s32 $0xFFFFF800  }
0x3b: {  	_ =	swait.ge [sflag:s15], $0x800  }
0x3c: {  	[sflag:s15] =	ssyncset.done $0x0  }
0x3d: {  	[sflag:s15] =	ssyncadd.s32 $0xFFFFF800  }
0x3e: {  	_ =	swait.ge [sflag:s15], $0x800  }
0x3f: {  	[sflag:s15] =	ssyncset.done $0x0  }
0x40: {  	[sflag:s15] =	ssyncadd.s32 $0xFFFFF800  }
0x41: {  	_ =	swait.ge [sflag:s15], $0x800  }
.Ltmp1:
0x42: {  	[sflag:s15] =	ssyncset.done $0x0;
	(pc) =	sbr.rel @p0 .LBB2_1-.Ltmp1, $4  }
0x43: {  	[sflag:s15] =	ssyncadd.s32 $0xFFFFF800  }
0x44: {  	[hbm4b:s16+s2] =	stream.linear.scatter [tilespmem:s7], [sflag:$0x2], $0x2800, $0x38;
	[tilespmem:$0x2A80] =	vst v63  }
0x45: {  	_ =	swait.ge [sflag:s3], $0x2800  }
0x46: {  	[sflag:s3] =	ssyncset.done $0x0  }
.LBB2_2:
0x47: {  	[sflag:s3] =	ssyncadd.s32 $0xFFFFD800  }
0x48: {  	_ =	sfence.sel $0x180000  }
0x49: {  	[bflag:$0x0] =	sbarrier.arrive $0xFFFF  }
0x4a: {  	p0 =	sne.s32 s0, $0x0;
	_ =	strace $0x90000047  }
0x4b: {  	s0 =	sadd.s32 @!p0 $0x100000, s1;
	[bflag:$0x2] =	sbarrier.arrive $0xFFFF  }
0x4c: {  	[sflag:s0] =	ssyncadd.tile.s32 @!p0 $0x1;
	_ =	shalt  }
.Lfunc_end2:
_tile_overlayer_lowered:
.L_overlay_start_2:
0x4d: {  	(tag) =	ssettag $0x2  }
0x4e: {  	s0 =	rddreg [dreg:$0x0];
	s2 =	stileid.u32  }
0x4f: {  	s1 =	rddreg [dreg:$0x1];
	p0 =	sne.s32 s2, $0x0  }
0x50: {  	s3 =	rddreg [dreg:$0x2];
	[bflag:$0x3] =	sbarrier.arrive $0xFFFF;
	s2 =	simm.s32 @!p0 $0x1C02  }
0x51: {  	[timem:s3], [sflag:s2] =	dma.local @!p0 [hbm:s0], s1  }
0x52: {  	s0 =	simm.s32 @!p0 $0x2  }
0x53: {  	_ =	swait.ge @!p0 [sflag:s0], s1  }
0x54: {  	s1 =	ssub.s32 @!p0 $0x0, s1;
	[sflag:s0] =	ssyncset.done @!p0 $0x0  }
0x55: {  	[sflag:s0] =	ssyncadd.s32 @!p0 s1  }
0x56: {  	[bflag:$0x3] =	sbarrier.arrive $0xFFFF  }
0x57: {  	_ =	shalt  }

</sc_bundles>
